<compile_context>
chip_gen: v7x
topology: tpu7x:2x2x1
jax: 0.10.2.dev20260603
libtpu: 0.0.44.dev20260713+nightly
codegen_flags: <defaults>
</compile_context>

<pallas_src>
import jax
import jax.numpy as jnp
from jax import lax
from jax.experimental import pallas as pl
from jax.experimental.pallas import tpu as pltpu
from jax.experimental.pallas import tpu_sc as plsc

NROW = 16384
NCOL = 64
NSUB = 16
NCORE = 2
COLS_PER_CORE = NCOL // NCORE
PER_TILE = NROW // NSUB
LANES = 16
NVREG = PER_TILE // LANES

HALF = 500_000
DUMMY0 = 1_000_000
TBL_PAD = 1 << 20
ZCHUNK = 1024
ZPER_TILE = TBL_PAD // NSUB


def _scatter_body(out_hbm, idx_hbm, src_hbm,
                  idx_v, sidx_v, cidx_v, src_v, one_v, zer_v,
                  sum_v, cnt_v, val_v, flat_v, tbl, sem):
    cid = lax.axis_index("c")
    sid = lax.axis_index("s")

    def cfill(k, c):
        one_v[pl.ds(k * LANES, LANES)] = jnp.full((LANES,), 1.0, jnp.float32)
        zer_v[pl.ds(k * LANES, LANES)] = jnp.zeros((LANES,), jnp.float32)
        return c
    lax.fori_loop(0, NVREG, cfill, 0)

    def zinit(k, c):
        pltpu.sync_copy(zer_v, tbl.at[pl.ds(sid * ZPER_TILE + k * ZCHUNK, ZCHUNK)])
        return c
    lax.fori_loop(0, ZPER_TILE // ZCHUNK, zinit, 0)

    plsc.subcore_barrier()

    def col_body(jj, carry):
        col = cid * COLS_PER_CORE + jj
        pltpu.sync_copy(idx_hbm.at[col, pl.ds(sid * PER_TILE, PER_TILE)], idx_v)
        pltpu.sync_copy(src_hbm.at[col, pl.ds(sid * PER_TILE, PER_TILE)], src_v)

        def ffill(k, c):
            v = idx_v[pl.ds(k * LANES, LANES)]
            flat_v[pl.ds(k * LANES, LANES)] = v * NCOL + col
            val_v[pl.ds(k * LANES, LANES)] = src_v[pl.ds(k * LANES, LANES)]
            return c
        lax.fori_loop(0, NVREG, ffill, 0)

        def half_body(h, c0):
            base = h * HALF
            def sfill(k, c):
                v = idx_v[pl.ds(k * LANES, LANES)]
                dummy = (DUMMY0 + sid * PER_TILE + k * LANES
                         + lax.broadcasted_iota(jnp.int32, (LANES,), 0))
                inr = (v >= base) & (v < base + HALF)
                sidx_v[pl.ds(k * LANES, LANES)] = jnp.where(inr, v - base, dummy)
                cidx_v[pl.ds(k * LANES, LANES)] = jnp.where(inr, v - base + HALF, dummy)
                return c
            lax.fori_loop(0, NVREG, sfill, 0)

            h1 = pltpu.async_copy(src_v, tbl.at[sidx_v], sem, add=True)
            h2 = pltpu.async_copy(one_v, tbl.at[cidx_v], sem, add=True)
            h1.wait()
            h2.wait()
            plsc.subcore_barrier()

            h1 = pltpu.async_copy(tbl.at[sidx_v], sum_v, sem)
            h2 = pltpu.async_copy(tbl.at[cidx_v], cnt_v, sem)
            h1.wait()
            h2.wait()
            plsc.subcore_barrier()

            h1 = pltpu.async_copy(zer_v, tbl.at[sidx_v], sem)
            h2 = pltpu.async_copy(zer_v, tbl.at[cidx_v], sem)

            def mfill(k, c):
                v = idx_v[pl.ds(k * LANES, LANES)]
                inr = (v >= base) & (v < base + HALF)
                mean = sum_v[pl.ds(k * LANES, LANES)] / cnt_v[pl.ds(k * LANES, LANES)]
                val_v[pl.ds(k * LANES, LANES)] = jnp.where(
                    inr, mean, val_v[pl.ds(k * LANES, LANES)])
                return c
            lax.fori_loop(0, NVREG, mfill, 0)

            h1.wait()
            h2.wait()
            plsc.subcore_barrier()
            return c0

        lax.fori_loop(0, 2, half_body, 0)

        pltpu.async_copy(val_v, out_hbm.at[flat_v], sem).wait()
        return carry

    lax.fori_loop(0, COLS_PER_CORE, col_body, 0)


_mesh = plsc.VectorSubcoreMesh(core_axis_name="c", subcore_axis_name="s")

_scatter = pl.kernel(
    _scatter_body,
    out_type=(),
    mesh=_mesh,
    scratch_types=[
        pltpu.VMEM((PER_TILE,), jnp.int32),
        pltpu.VMEM((PER_TILE,), jnp.int32),
        pltpu.VMEM((PER_TILE,), jnp.int32),
        pltpu.VMEM((PER_TILE,), jnp.float32),
        pltpu.VMEM((PER_TILE,), jnp.float32),
        pltpu.VMEM((PER_TILE,), jnp.float32),
        pltpu.VMEM((PER_TILE,), jnp.float32),
        pltpu.VMEM((PER_TILE,), jnp.float32),
        pltpu.VMEM((PER_TILE,), jnp.float32),
        pltpu.VMEM((PER_TILE,), jnp.int32),
        pltpu.VMEM_SHARED((TBL_PAD,), jnp.float32),
        pltpu.SemaphoreType.DMA,
    ],
)


def kernel(x, index, src):
    idx_t = index.T
    src_t = src.T
    out_ref = jax.new_ref(x.reshape(-1))
    _scatter(out_ref, idx_t, src_t)
    return out_ref[...].reshape(x.shape)

# --- scband reference (transcript-rebuilt; emitter-appended) ---
"""Pipeline reference for scband-scatter-elements-8890582303355 (READ-ONLY COPY).

The authoritative reference and input builder live on the scoring server;
editing this copy changes nothing except your own understanding.
"""

import jax, jax.numpy as jnp
import numpy as np


def setup_inputs(seed: int = 0) -> dict:
    key = jax.random.key(seed)
    k1, k2, k3 = jax.random.split(key, 3)
    x = jax.random.normal(k1, (1000000, 64), dtype=jnp.float32)
    # int32 used to avoid requiring jax x64 mode; values fit comfortably
    index = jax.random.randint(k2, (16384, 64), 0, 1000000, dtype=jnp.int32)
    src = jax.random.normal(k3, (16384, 64), dtype=jnp.float32)
    return {"x": x, "index": index, "src": src}


def reference(x, index, src):
    # torch semantics: out[index[i, j], j] = src[i, j]  (dim=0, overwrite scatter)
    cols = jnp.broadcast_to(jnp.arange(x.shape[1], dtype=index.dtype), index.shape)
    out = x.at[index, cols].set(src)
    return out

if __name__ == "__main__":
    import jax
    _d = setup_inputs()
    print(jax.jit(kernel)(*tuple(_d.values())))

</pallas_src>

<mosaic_0001>
#map = affine_map<(d0, d1) -> (0)>
#map1 = affine_map<(d0, d1) -> (0, 0)>
module attributes {stable_mosaic.version = 14 : i64} {
  func.func @new_body(%arg0: i32, %arg1: i32, %arg2: memref<64000000xf32, #tpu.memory_space<hbm>>, %arg3: memref<64x16384xi32, #tpu.memory_space<hbm>>, %arg4: memref<64x16384xf32, #tpu.memory_space<hbm>>, %arg5: memref<64000000xf32, #tpu.memory_space<hbm>>, %arg6: memref<1024xi32, #tpu.memory_space<vmem>>, %arg7: memref<1024xi32, #tpu.memory_space<vmem>>, %arg8: memref<1024xi32, #tpu.memory_space<vmem>>, %arg9: memref<1024xf32, #tpu.memory_space<vmem>>, %arg10: memref<1024xf32, #tpu.memory_space<vmem>>, %arg11: memref<1024xf32, #tpu.memory_space<vmem>>, %arg12: memref<1024xf32, #tpu.memory_space<vmem>>, %arg13: memref<1024xf32, #tpu.memory_space<vmem>>, %arg14: memref<1024xf32, #tpu.memory_space<vmem>>, %arg15: memref<1024xi32, #tpu.memory_space<vmem>>, %arg16: memref<1048576xf32, #tpu.memory_space<vmem_shared>>, %arg17: memref<!tpu.dma_semaphore, #tpu.memory_space<semaphore_mem>>) attributes {dimension_semantics = [#tpu.dimension_semantics<core_parallel>, #tpu.dimension_semantics<subcore_parallel>], iteration_bounds = array<i64: 2, 16>, scalar_prefetch = 0 : i64, scratch_operands = 12 : i64, tpu.core_type = #tpu.core_type<sc_vector_subcore>, window_params = [{transform_indices = #map}, {transform_indices = #map1}, {transform_indices = #map1}, {transform_indices = #map}]} {
    %scan3A = arith.constant 0 : i32
    %scan3A_0 = arith.constant 0 : i32
    %scan3A_1 = arith.constant 64 : i32
    %scan3A_2 = arith.addi %scan3A_0, %scan3A_1 : i32
    %scan3A_3 = arith.constant 1 : i32
    scf.for %scan3A_17 = %scan3A_0 to %scan3A_2 step %scan3A_3  : i32 {
      %broadcast_in_dim3A = arith.constant 1.000000e+00 : f32
      %broadcast_in_dim3A_18 = vector.broadcast %broadcast_in_dim3A : f32 to vector<16xf32>
      %mul3A = arith.constant 16 : i32
      %mul3A_19 = arith.muli %scan3A_17, %mul3A : i32
      %swap3A = arith.index_cast %mul3A_19 : i32 to index
      %swap3A_20 = tpu.vector_load %arg10[%swap3A] {strides = array<i32>} : memref<1024xf32, #tpu.memory_space<vmem>>, vector<16xf32>,
      %swap3A_21 = vector.shape_cast %swap3A_20 : vector<16xf32> to vector<16xf32>
      %swap3A_22 = vector.shape_cast %broadcast_in_dim3A_18 : vector<16xf32> to vector<16xf32>
      tpu.vector_store %arg10[%swap3A], %swap3A_22 {strides = array<i32>} : memref<1024xf32, #tpu.memory_space<vmem>>, vector<16xf32>,
      %broadcast_in_dim3A_23 = arith.constant 0.000000e+00 : f32
      %broadcast_in_dim3A_24 = vector.broadcast %broadcast_in_dim3A_23 : f32 to vector<16xf32>
      %mul3A_25 = arith.constant 16 : i32
      %mul3A_26 = arith.muli %scan3A_17, %mul3A_25 : i32
      %swap3A_27 = arith.index_cast %mul3A_26 : i32 to index
      %swap3A_28 = tpu.vector_load %arg11[%swap3A_27] {strides = array<i32>} : memref<1024xf32, #tpu.memory_space<vmem>>, vector<16xf32>,
      %swap3A_29 = vector.shape_cast %swap3A_28 : vector<16xf32> to vector<16xf32>
      %swap3A_30 = vector.shape_cast %broadcast_in_dim3A_24 : vector<16xf32> to vector<16xf32>
      tpu.vector_store %arg11[%swap3A_27], %swap3A_30 {strides = array<i32>} : memref<1024xf32, #tpu.memory_space<vmem>>, vector<16xf32>,
    }
    %scan3A_4 = arith.constant 64 : i32
    %scan3A_5 = arith.constant 0 : i32
    %scan3A_6 = arith.constant 0 : i32
    %scan3A_7 = arith.constant 64 : i32
    %scan3A_8 = arith.addi %scan3A_6, %scan3A_7 : i32
    %scan3A_9 = arith.constant 1 : i32
    scf.for %scan3A_17 = %scan3A_6 to %scan3A_8 step %scan3A_9  : i32 {
      %mul3A = arith.constant 65536 : i32
      %mul3A_18 = arith.muli %arg1, %mul3A : i32
      %mul3A_19 = arith.constant 1024 : i32
      %mul3A_20 = arith.muli %scan3A_17, %mul3A_19 : i32
      %add3A = arith.addi %mul3A_18, %mul3A_20 : i32
      "tpu.region"() ({
        %run_scoped3A = tpu.sem_alloc : memref<!tpu.dma_semaphore, #tpu.memory_space<semaphore_mem>>
        %dma_start3A = tpu.memref_slice %arg16[%add3A] : memref<1048576xf32, #tpu.memory_space<vmem_shared>> -> memref<1024xf32, #tpu.memory_space<vmem_shared>>
        %dma_start3A_21 = tpu.memref_slice %arg16[%add3A] : memref<1048576xf32, #tpu.memory_space<vmem_shared>> -> memref<1024xf32, #tpu.memory_space<vmem_shared>>
        tpu.enqueue_dma source(%arg11 : memref<1024xf32, #tpu.memory_space<vmem>>) target(%dma_start3A_21 : memref<1024xf32, #tpu.memory_space<vmem_shared>>) target_semaphore(%run_scoped3A : memref<!tpu.dma_semaphore, #tpu.memory_space<semaphore_mem>>)
        %dma_wait3A = tpu.memref_slice %arg16[%add3A] : memref<1048576xf32, #tpu.memory_space<vmem_shared>> -> memref<1024xf32, #tpu.memory_space<vmem_shared>>
        %dma_wait3A_22 = tpu.memref_slice %arg16[%add3A] : memref<1048576xf32, #tpu.memory_space<vmem_shared>> -> memref<1024xf32, #tpu.memory_space<vmem_shared>>
        tpu.wait_dma2 semaphore(%run_scoped3A : memref<!tpu.dma_semaphore, #tpu.memory_space<semaphore_mem>>) src(%arg11 : memref<1024xf32, #tpu.memory_space<vmem>>) dst(%dma_wait3A_22 : memref<1024xf32, #tpu.memory_space<vmem_shared>>)
        tpu.yield
      }) : () -> ()
    }
    %scan3A_10 = arith.constant 64 : i32
    %barrier3A = arith.constant 0 : index
    tpu.barrier barrier_id(%barrier3A)
    %scan3A_11 = arith.constant 0 : i32
    %scan3A_12 = arith.constant 0 : i32
    %scan3A_13 = arith.constant 32 : i32
    %scan3A_14 = arith.addi %scan3A_12, %scan3A_13 : i32
    %scan3A_15 = arith.constant 1 : i32
    scf.for %scan3A_17 = %scan3A_12 to %scan3A_14 step %scan3A_15  : i32 {
      %mul3A = arith.constant 32 : i32
      %mul3A_18 = arith.muli %arg0, %mul3A : i32
      %add3A = arith.addi %mul3A_18, %scan3A_17 : i32
      %mul3A_19 = arith.constant 1024 : i32
      %mul3A_20 = arith.muli %arg1, %mul3A_19 : i32
      "tpu.region"() ({
        %run_scoped3A = tpu.sem_alloc : memref<!tpu.dma_semaphore, #tpu.memory_space<semaphore_mem>>
        %dma_start3A_37 = tpu.memref_slice %arg3[%add3A, %mul3A_20] : memref<64x16384xi32, #tpu.memory_space<hbm>> -> memref<1x1024xi32, #tpu.memory_space<hbm>>
        %dma_start3A_38 = tpu.memref_squeeze %dma_start3A_37 : memref<1x1024xi32, #tpu.memory_space<hbm>> -> memref<1024xi32, #tpu.memory_space<hbm>>
        %dma_start3A_39 = tpu.memref_slice %arg3[%add3A, %mul3A_20] : memref<64x16384xi32, #tpu.memory_space<hbm>> -> memref<1x1024xi32, #tpu.memory_space<hbm>>
        %dma_start3A_40 = tpu.memref_squeeze %dma_start3A_39 : memref<1x1024xi32, #tpu.memory_space<hbm>> -> memref<1024xi32, #tpu.memory_space<hbm>>
        tpu.enqueue_dma source(%dma_start3A_40 : memref<1024xi32, #tpu.memory_space<hbm>>) target(%arg6 : memref<1024xi32, #tpu.memory_space<vmem>>) target_semaphore(%run_scoped3A : memref<!tpu.dma_semaphore, #tpu.memory_space<semaphore_mem>>)
        %dma_wait3A_41 = tpu.memref_slice %arg3[%add3A, %mul3A_20] : memref<64x16384xi32, #tpu.memory_space<hbm>> -> memref<1x1024xi32, #tpu.memory_space<hbm>>
        %dma_wait3A_42 = tpu.memref_squeeze %dma_wait3A_41 : memref<1x1024xi32, #tpu.memory_space<hbm>> -> memref<1024xi32, #tpu.memory_space<hbm>>
        %dma_wait3A_43 = tpu.memref_slice %arg3[%add3A, %mul3A_20] : memref<64x16384xi32, #tpu.memory_space<hbm>> -> memref<1x1024xi32, #tpu.memory_space<hbm>>
        %dma_wait3A_44 = tpu.memref_squeeze %dma_wait3A_43 : memref<1x1024xi32, #tpu.memory_space<hbm>> -> memref<1024xi32, #tpu.memory_space<hbm>>
        tpu.wait_dma2 semaphore(%run_scoped3A : memref<!tpu.dma_semaphore, #tpu.memory_space<semaphore_mem>>) src(%dma_wait3A_44 : memref<1024xi32, #tpu.memory_space<hbm>>) dst(%arg6 : memref<1024xi32, #tpu.memory_space<vmem>>)
        tpu.yield
      }) : () -> ()
      %mul3A_21 = arith.constant 1024 : i32
      %mul3A_22 = arith.muli %arg1, %mul3A_21 : i32
      "tpu.region"() ({
        %run_scoped3A = tpu.sem_alloc : memref<!tpu.dma_semaphore, #tpu.memory_space<semaphore_mem>>
        %dma_start3A_37 = tpu.memref_slice %arg4[%add3A, %mul3A_22] : memref<64x16384xf32, #tpu.memory_space<hbm>> -> memref<1x1024xf32, #tpu.memory_space<hbm>>
        %dma_start3A_38 = tpu.memref_squeeze %dma_start3A_37 : memref<1x1024xf32, #tpu.memory_space<hbm>> -> memref<1024xf32, #tpu.memory_space<hbm>>
        %dma_start3A_39 = tpu.memref_slice %arg4[%add3A, %mul3A_22] : memref<64x16384xf32, #tpu.memory_space<hbm>> -> memref<1x1024xf32, #tpu.memory_space<hbm>>
        %dma_start3A_40 = tpu.memref_squeeze %dma_start3A_39 : memref<1x1024xf32, #tpu.memory_space<hbm>> -> memref<1024xf32, #tpu.memory_space<hbm>>
        tpu.enqueue_dma source(%dma_start3A_40 : memref<1024xf32, #tpu.memory_space<hbm>>) target(%arg9 : memref<1024xf32, #tpu.memory_space<vmem>>) target_semaphore(%run_scoped3A : memref<!tpu.dma_semaphore, #tpu.memory_space<semaphore_mem>>)
        %dma_wait3A_41 = tpu.memref_slice %arg4[%add3A, %mul3A_22] : memref<64x16384xf32, #tpu.memory_space<hbm>> -> memref<1x1024xf32, #tpu.memory_space<hbm>>
        %dma_wait3A_42 = tpu.memref_squeeze %dma_wait3A_41 : memref<1x1024xf32, #tpu.memory_space<hbm>> -> memref<1024xf32, #tpu.memory_space<hbm>>
        %dma_wait3A_43 = tpu.memref_slice %arg4[%add3A, %mul3A_22] : memref<64x16384xf32, #tpu.memory_space<hbm>> -> memref<1x1024xf32, #tpu.memory_space<hbm>>
        %dma_wait3A_44 = tpu.memref_squeeze %dma_wait3A_43 : memref<1x1024xf32, #tpu.memory_space<hbm>> -> memref<1024xf32, #tpu.memory_space<hbm>>
        tpu.wait_dma2 semaphore(%run_scoped3A : memref<!tpu.dma_semaphore, #tpu.memory_space<semaphore_mem>>) src(%dma_wait3A_44 : memref<1024xf32, #tpu.memory_space<hbm>>) dst(%arg9 : memref<1024xf32, #tpu.memory_space<vmem>>)
        tpu.yield
      }) : () -> ()
      %scan3A_23 = arith.constant 0 : i32
      %scan3A_24 = arith.constant 0 : i32
      %scan3A_25 = arith.constant 64 : i32
      %scan3A_26 = arith.addi %scan3A_24, %scan3A_25 : i32
      %scan3A_27 = arith.constant 1 : i32
      scf.for %scan3A_37 = %scan3A_24 to %scan3A_26 step %scan3A_27  : i32 {
        %mul3A_38 = arith.constant 16 : i32
        %mul3A_39 = arith.muli %scan3A_37, %mul3A_38 : i32
        %get3A = arith.index_cast %mul3A_39 : i32 to index
        %get3A_40 = tpu.vector_load %arg6[%get3A] {strides = array<i32>} : memref<1024xi32, #tpu.memory_space<vmem>>, vector<16xi32>,
        %get3A_41 = vector.shape_cast %get3A_40 : vector<16xi32> to vector<16xi32>
        %mul3A_42 = arith.constant 64 : i32
        %mul3A_43 = vector.broadcast %mul3A_42 : i32 to vector<16xi32>
        %mul3A_44 = arith.muli %get3A_41, %mul3A_43 : vector<16xi32>
        %add3A_45 = vector.broadcast %add3A : i32 to vector<16xi32>
        %add3A_46 = arith.addi %mul3A_44, %add3A_45 : vector<16xi32>
        %mul3A_47 = arith.constant 16 : i32
        %mul3A_48 = arith.muli %scan3A_37, %mul3A_47 : i32
        %swap3A = arith.index_cast %mul3A_48 : i32 to index
        %swap3A_49 = tpu.vector_load %arg15[%swap3A] {strides = array<i32>} : memref<1024xi32, #tpu.memory_space<vmem>>, vector<16xi32>,
        %swap3A_50 = vector.shape_cast %swap3A_49 : vector<16xi32> to vector<16xi32>
        %swap3A_51 = vector.shape_cast %add3A_46 : vector<16xi32> to vector<16xi32>
        tpu.vector_store %arg15[%swap3A], %swap3A_51 {strides = array<i32>} : memref<1024xi32, #tpu.memory_space<vmem>>, vector<16xi32>,
        %mul3A_52 = arith.constant 16 : i32
        %mul3A_53 = arith.muli %scan3A_37, %mul3A_52 : i32
        %get3A_54 = arith.index_cast %mul3A_53 : i32 to index
        %get3A_55 = tpu.vector_load %arg9[%get3A_54] {strides = array<i32>} : memref<1024xf32, #tpu.memory_space<vmem>>, vector<16xf32>,
        %get3A_56 = vector.shape_cast %get3A_55 : vector<16xf32> to vector<16xf32>
        %mul3A_57 = arith.constant 16 : i32
        %mul3A_58 = arith.muli %scan3A_37, %mul3A_57 : i32
        %swap3A_59 = arith.index_cast %mul3A_58 : i32 to index
        %swap3A_60 = tpu.vector_load %arg14[%swap3A_59] {strides = array<i32>} : memref<1024xf32, #tpu.memory_space<vmem>>, vector<16xf32>,
        %swap3A_61 = vector.shape_cast %swap3A_60 : vector<16xf32> to vector<16xf32>
        %swap3A_62 = vector.shape_cast %get3A_56 : vector<16xf32> to vector<16xf32>
        tpu.vector_store %arg14[%swap3A_59], %swap3A_62 {strides = array<i32>} : memref<1024xf32, #tpu.memory_space<vmem>>, vector<16xf32>,
      }
      %scan3A_28 = arith.constant 64 : i32
      %scan3A_29 = arith.constant 0 : i32
      %scan3A_30 = arith.constant 0 : i32
      %scan3A_31 = arith.constant 2 : i32
      %scan3A_32 = arith.addi %scan3A_30, %scan3A_31 : i32
      %scan3A_33 = arith.constant 1 : i32
      scf.for %scan3A_37 = %scan3A_30 to %scan3A_32 step %scan3A_33  : i32 {
        %mul3A_38 = arith.constant 500000 : i32
        %mul3A_39 = arith.muli %scan3A_37, %mul3A_38 : i32
        %scan3A_40 = arith.constant 0 : i32
        %scan3A_41 = arith.constant 0 : i32
        %scan3A_42 = arith.constant 64 : i32
        %scan3A_43 = arith.addi %scan3A_41, %scan3A_42 : i32
        %scan3A_44 = arith.constant 1 : i32
        scf.for %scan3A_79 = %scan3A_41 to %scan3A_43 step %scan3A_44  : i32 {
          %mul3A_80 = arith.constant 16 : i32
          %mul3A_81 = arith.muli %scan3A_79, %mul3A_80 : i32
          %get3A = arith.index_cast %mul3A_81 : i32 to index
          %get3A_82 = tpu.vector_load %arg6[%get3A] {strides = array<i32>} : memref<1024xi32, #tpu.memory_space<vmem>>, vector<16xi32>,
          %get3A_83 = vector.shape_cast %get3A_82 : vector<16xi32> to vector<16xi32>
          %mul3A_84 = arith.constant 1024 : i32
          %mul3A_85 = arith.muli %arg1, %mul3A_84 : i32
          %add3A_86 = arith.constant 1000000 : i32
          %add3A_87 = arith.addi %add3A_86, %mul3A_85 : i32
          %mul3A_88 = arith.constant 16 : i32
          %mul3A_89 = arith.muli %scan3A_79, %mul3A_88 : i32
          %add3A_90 = arith.addi %add3A_87, %mul3A_89 : i32
          %iota3A = tpu.iota {dimensions = array<i32: 0>} : vector<16xi32>
          %add3A_91 = vector.broadcast %add3A_90 : i32 to vector<16xi32>
          %add3A_92 = arith.addi %add3A_91, %iota3A : vector<16xi32>
          %ge3A = vector.broadcast %mul3A_39 : i32 to vector<16xi32>
          %ge3A_93 = arith.cmpi sge, %get3A_83, %ge3A : vector<16xi32>
          %add3A_94 = arith.constant 500000 : i32
          %add3A_95 = arith.addi %mul3A_39, %add3A_94 : i32
          %lt3A = vector.broadcast %add3A_95 : i32 to vector<16xi32>
          %lt3A_96 = arith.cmpi slt, %get3A_83, %lt3A : vector<16xi32>
          %and3A = arith.andi %ge3A_93, %lt3A_96 : vector<16xi1>
          %sub3A = vector.broadcast %mul3A_39 : i32 to vector<16xi32>
          %sub3A_97 = arith.subi %get3A_83, %sub3A : vector<16xi32>
          %select_n3A = arith.select %and3A, %sub3A_97, %add3A_92 : vector<16xi1>, vector<16xi32>
          %mul3A_98 = arith.constant 16 : i32
          %mul3A_99 = arith.muli %scan3A_79, %mul3A_98 : i32
          %swap3A = arith.index_cast %mul3A_99 : i32 to index
          %swap3A_100 = tpu.vector_load %arg7[%swap3A] {strides = array<i32>} : memref<1024xi32, #tpu.memory_space<vmem>>, vector<16xi32>,
          %swap3A_101 = vector.shape_cast %swap3A_100 : vector<16xi32> to vector<16xi32>
          %swap3A_102 = vector.shape_cast %select_n3A : vector<16xi32> to vector<16xi32>
          tpu.vector_store %arg7[%swap3A], %swap3A_102 {strides = array<i32>} : memref<1024xi32, #tpu.memory_space<vmem>>, vector<16xi32>,
          %sub3A_103 = vector.broadcast %mul3A_39 : i32 to vector<16xi32>
          %sub3A_104 = arith.subi %get3A_83, %sub3A_103 : vector<16xi32>
          %add3A_105 = arith.constant 500000 : i32
          %add3A_106 = vector.broadcast %add3A_105 : i32 to vector<16xi32>
          %add3A_107 = arith.addi %sub3A_104, %add3A_106 : vector<16xi32>
          %select_n3A_108 = arith.select %and3A, %add3A_107, %add3A_92 : vector<16xi1>, vector<16xi32>
          %mul3A_109 = arith.constant 16 : i32
          %mul3A_110 = arith.muli %scan3A_79, %mul3A_109 : i32
          %swap3A_111 = arith.index_cast %mul3A_110 : i32 to index
          %swap3A_112 = tpu.vector_load %arg8[%swap3A_111] {strides = array<i32>} : memref<1024xi32, #tpu.memory_space<vmem>>, vector<16xi32>,
          %swap3A_113 = vector.shape_cast %swap3A_112 : vector<16xi32> to vector<16xi32>
          %swap3A_114 = vector.shape_cast %select_n3A_108 : vector<16xi32> to vector<16xi32>
          tpu.vector_store %arg8[%swap3A_111], %swap3A_114 {strides = array<i32>} : memref<1024xi32, #tpu.memory_space<vmem>>, vector<16xi32>,
        }
        %scan3A_45 = arith.constant 64 : i32
        %dma_start3A_46 = arith.constant 0 : i32
        %dma_start3A_47 = tpu.memref_slice %arg16[%dma_start3A_46] : memref<1048576xf32, #tpu.memory_space<vmem_shared>> -> memref<1048576xf32, #tpu.memory_space<vmem_shared>>
        tpu.enqueue_indirect_dma source(%arg9 : memref<1024xf32, #tpu.memory_space<vmem>>) target(%dma_start3A_47 : memref<1048576xf32, #tpu.memory_space<vmem_shared>>) offsets(%arg7 : memref<1024xi32, #tpu.memory_space<vmem>>) semaphore(%arg17 : memref<!tpu.dma_semaphore, #tpu.memory_space<semaphore_mem>>) {add = true}
        %dma_start3A_48 = arith.constant 0 : i32
        %dma_start3A_49 = tpu.memref_slice %arg16[%dma_start3A_48] : memref<1048576xf32, #tpu.memory_space<vmem_shared>> -> memref<1048576xf32, #tpu.memory_space<vmem_shared>>
        tpu.enqueue_indirect_dma source(%arg10 : memref<1024xf32, #tpu.memory_space<vmem>>) target(%dma_start3A_49 : memref<1048576xf32, #tpu.memory_space<vmem_shared>>) offsets(%arg8 : memref<1024xi32, #tpu.memory_space<vmem>>) semaphore(%arg17 : memref<!tpu.dma_semaphore, #tpu.memory_space<semaphore_mem>>) {add = true}
        %dma_wait3A_50 = arith.constant 0 : i32
        %dma_wait3A_51 = tpu.memref_slice %arg16[%dma_wait3A_50] : memref<1048576xf32, #tpu.memory_space<vmem_shared>> -> memref<1048576xf32, #tpu.memory_space<vmem_shared>>
        tpu.wait_indirect_dma semaphore(%arg17 : memref<!tpu.dma_semaphore, #tpu.memory_space<semaphore_mem>>) src(%arg9 : memref<1024xf32, #tpu.memory_space<vmem>>) dst(%dma_wait3A_51 : memref<1048576xf32, #tpu.memory_space<vmem_shared>>)
        %dma_wait3A_52 = arith.constant 0 : i32
        %dma_wait3A_53 = tpu.memref_slice %arg16[%dma_wait3A_52] : memref<1048576xf32, #tpu.memory_space<vmem_shared>> -> memref<1048576xf32, #tpu.memory_space<vmem_shared>>
        tpu.wait_indirect_dma semaphore(%arg17 : memref<!tpu.dma_semaphore, #tpu.memory_space<semaphore_mem>>) src(%arg10 : memref<1024xf32, #tpu.memory_space<vmem>>) dst(%dma_wait3A_53 : memref<1048576xf32, #tpu.memory_space<vmem_shared>>)
        %barrier3A_54 = arith.constant 0 : index
        tpu.barrier barrier_id(%barrier3A_54)
        %dma_start3A_55 = arith.constant 0 : i32
        %dma_start3A_56 = tpu.memref_slice %arg16[%dma_start3A_55] : memref<1048576xf32, #tpu.memory_space<vmem_shared>> -> memref<1048576xf32, #tpu.memory_space<vmem_shared>>
        tpu.enqueue_indirect_dma source(%dma_start3A_56 : memref<1048576xf32, #tpu.memory_space<vmem_shared>>) target(%arg12 : memref<1024xf32, #tpu.memory_space<vmem>>) offsets(%arg7 : memref<1024xi32, #tpu.memory_space<vmem>>) semaphore(%arg17 : memref<!tpu.dma_semaphore, #tpu.memory_space<semaphore_mem>>)
        %dma_start3A_57 = arith.constant 0 : i32
        %dma_start3A_58 = tpu.memref_slice %arg16[%dma_start3A_57] : memref<1048576xf32, #tpu.memory_space<vmem_shared>> -> memref<1048576xf32, #tpu.memory_space<vmem_shared>>
        tpu.enqueue_indirect_dma source(%dma_start3A_58 : memref<1048576xf32, #tpu.memory_space<vmem_shared>>) target(%arg13 : memref<1024xf32, #tpu.memory_space<vmem>>) offsets(%arg8 : memref<1024xi32, #tpu.memory_space<vmem>>) semaphore(%arg17 : memref<!tpu.dma_semaphore, #tpu.memory_space<semaphore_mem>>)
        %dma_wait3A_59 = arith.constant 0 : i32
        %dma_wait3A_60 = tpu.memref_slice %arg16[%dma_wait3A_59] : memref<1048576xf32, #tpu.memory_space<vmem_shared>> -> memref<1048576xf32, #tpu.memory_space<vmem_shared>>
        tpu.wait_indirect_dma semaphore(%arg17 : memref<!tpu.dma_semaphore, #tpu.memory_space<semaphore_mem>>) src(%dma_wait3A_60 : memref<1048576xf32, #tpu.memory_space<vmem_shared>>) dst(%arg12 : memref<1024xf32, #tpu.memory_space<vmem>>)
        %dma_wait3A_61 = arith.constant 0 : i32
        %dma_wait3A_62 = tpu.memref_slice %arg16[%dma_wait3A_61] : memref<1048576xf32, #tpu.memory_space<vmem_shared>> -> memref<1048576xf32, #tpu.memory_space<vmem_shared>>
        tpu.wait_indirect_dma semaphore(%arg17 : memref<!tpu.dma_semaphore, #tpu.memory_space<semaphore_mem>>) src(%dma_wait3A_62 : memref<1048576xf32, #tpu.memory_space<vmem_shared>>) dst(%arg13 : memref<1024xf32, #tpu.memory_space<vmem>>)
        %barrier3A_63 = arith.constant 0 : index
        tpu.barrier barrier_id(%barrier3A_63)
        %dma_start3A_64 = arith.constant 0 : i32
        %dma_start3A_65 = tpu.memref_slice %arg16[%dma_start3A_64] : memref<1048576xf32, #tpu.memory_space<vmem_shared>> -> memref<1048576xf32, #tpu.memory_space<vmem_shared>>
        tpu.enqueue_indirect_dma source(%arg11 : memref<1024xf32, #tpu.memory_space<vmem>>) target(%dma_start3A_65 : memref<1048576xf32, #tpu.memory_space<vmem_shared>>) offsets(%arg7 : memref<1024xi32, #tpu.memory_space<vmem>>) semaphore(%arg17 : memref<!tpu.dma_semaphore, #tpu.memory_space<semaphore_mem>>)
        %dma_start3A_66 = arith.constant 0 : i32
        %dma_start3A_67 = tpu.memref_slice %arg16[%dma_start3A_66] : memref<1048576xf32, #tpu.memory_space<vmem_shared>> -> memref<1048576xf32, #tpu.memory_space<vmem_shared>>
        tpu.enqueue_indirect_dma source(%arg11 : memref<1024xf32, #tpu.memory_space<vmem>>) target(%dma_start3A_67 : memref<1048576xf32, #tpu.memory_space<vmem_shared>>) offsets(%arg8 : memref<1024xi32, #tpu.memory_space<vmem>>) semaphore(%arg17 : memref<!tpu.dma_semaphore, #tpu.memory_space<semaphore_mem>>)
        %scan3A_68 = arith.constant 0 : i32
        %scan3A_69 = arith.constant 0 : i32
        %scan3A_70 = arith.constant 64 : i32
        %scan3A_71 = arith.addi %scan3A_69, %scan3A_70 : i32
        %scan3A_72 = arith.constant 1 : i32
        scf.for %scan3A_79 = %scan3A_69 to %scan3A_71 step %scan3A_72  : i32 {
          %mul3A_80 = arith.constant 16 : i32
          %mul3A_81 = arith.muli %scan3A_79, %mul3A_80 : i32
          %get3A = arith.index_cast %mul3A_81 : i32 to index
          %get3A_82 = tpu.vector_load %arg6[%get3A] {strides = array<i32>} : memref<1024xi32, #tpu.memory_space<vmem>>, vector<16xi32>,
          %get3A_83 = vector.shape_cast %get3A_82 : vector<16xi32> to vector<16xi32>
          %ge3A = vector.broadcast %mul3A_39 : i32 to vector<16xi32>
          %ge3A_84 = arith.cmpi sge, %get3A_83, %ge3A : vector<16xi32>
          %add3A_85 = arith.constant 500000 : i32
          %add3A_86 = arith.addi %mul3A_39, %add3A_85 : i32
          %lt3A = vector.broadcast %add3A_86 : i32 to vector<16xi32>
          %lt3A_87 = arith.cmpi slt, %get3A_83, %lt3A : vector<16xi32>
          %and3A = arith.andi %ge3A_84, %lt3A_87 : vector<16xi1>
          %mul3A_88 = arith.constant 16 : i32
          %mul3A_89 = arith.muli %scan3A_79, %mul3A_88 : i32
          %get3A_90 = arith.index_cast %mul3A_89 : i32 to index
          %get3A_91 = tpu.vector_load %arg12[%get3A_90] {strides = array<i32>} : memref<1024xf32, #tpu.memory_space<vmem>>, vector<16xf32>,
          %get3A_92 = vector.shape_cast %get3A_91 : vector<16xf32> to vector<16xf32>
          %mul3A_93 = arith.constant 16 : i32
          %mul3A_94 = arith.muli %scan3A_79, %mul3A_93 : i32
          %get3A_95 = arith.index_cast %mul3A_94 : i32 to index
          %get3A_96 = tpu.vector_load %arg13[%get3A_95] {strides = array<i32>} : memref<1024xf32, #tpu.memory_space<vmem>>, vector<16xf32>,
          %get3A_97 = vector.shape_cast %get3A_96 : vector<16xf32> to vector<16xf32>
          %div3A = arith.divf %get3A_92, %get3A_97 : vector<16xf32>
          %mul3A_98 = arith.constant 16 : i32
          %mul3A_99 = arith.muli %scan3A_79, %mul3A_98 : i32
          %get3A_100 = arith.index_cast %mul3A_99 : i32 to index
          %get3A_101 = tpu.vector_load %arg14[%get3A_100] {strides = array<i32>} : memref<1024xf32, #tpu.memory_space<vmem>>, vector<16xf32>,
          %get3A_102 = vector.shape_cast %get3A_101 : vector<16xf32> to vector<16xf32>
          %select_n3A = arith.select %and3A, %div3A, %get3A_102 : vector<16xi1>, vector<16xf32>
          %mul3A_103 = arith.constant 16 : i32
          %mul3A_104 = arith.muli %scan3A_79, %mul3A_103 : i32
          %swap3A = arith.index_cast %mul3A_104 : i32 to index
          %swap3A_105 = tpu.vector_load %arg14[%swap3A] {strides = array<i32>} : memref<1024xf32, #tpu.memory_space<vmem>>, vector<16xf32>,
          %swap3A_106 = vector.shape_cast %swap3A_105 : vector<16xf32> to vector<16xf32>
          %swap3A_107 = vector.shape_cast %select_n3A : vector<16xf32> to vector<16xf32>
          tpu.vector_store %arg14[%swap3A], %swap3A_107 {strides = array<i32>} : memref<1024xf32, #tpu.memory_space<vmem>>, vector<16xf32>,
        }
        %scan3A_73 = arith.constant 64 : i32
        %dma_wait3A_74 = arith.constant 0 : i32
        %dma_wait3A_75 = tpu.memref_slice %arg16[%dma_wait3A_74] : memref<1048576xf32, #tpu.memory_space<vmem_shared>> -> memref<1048576xf32, #tpu.memory_space<vmem_shared>>
        tpu.wait_indirect_dma semaphore(%arg17 : memref<!tpu.dma_semaphore, #tpu.memory_space<semaphore_mem>>) src(%arg11 : memref<1024xf32, #tpu.memory_space<vmem>>) dst(%dma_wait3A_75 : memref<1048576xf32, #tpu.memory_space<vmem_shared>>)
        %dma_wait3A_76 = arith.constant 0 : i32
        %dma_wait3A_77 = tpu.memref_slice %arg16[%dma_wait3A_76] : memref<1048576xf32, #tpu.memory_space<vmem_shared>> -> memref<1048576xf32, #tpu.memory_space<vmem_shared>>
        tpu.wait_indirect_dma semaphore(%arg17 : memref<!tpu.dma_semaphore, #tpu.memory_space<semaphore_mem>>) src(%arg11 : memref<1024xf32, #tpu.memory_space<vmem>>) dst(%dma_wait3A_77 : memref<1048576xf32, #tpu.memory_space<vmem_shared>>)
        %barrier3A_78 = arith.constant 0 : index
        tpu.barrier barrier_id(%barrier3A_78)
      }
      %scan3A_34 = arith.constant 2 : i32
      %dma_start3A = arith.constant 0 : i32
      %dma_start3A_35 = tpu.memref_slice %arg2[%dma_start3A] : memref<64000000xf32, #tpu.memory_space<hbm>> -> memref<64000000xf32, #tpu.memory_space<hbm>>
      tpu.enqueue_indirect_dma source(%arg14 : memref<1024xf32, #tpu.memory_space<vmem>>) target(%dma_start3A_35 : memref<64000000xf32, #tpu.memory_space<hbm>>) offsets(%arg15 : memref<1024xi32, #tpu.memory_space<vmem>>) semaphore(%arg17 : memref<!tpu.dma_semaphore, #tpu.memory_space<semaphore_mem>>)
      %dma_wait3A = arith.constant 0 : i32
      %dma_wait3A_36 = tpu.memref_slice %arg2[%dma_wait3A] : memref<64000000xf32, #tpu.memory_space<hbm>> -> memref<64000000xf32, #tpu.memory_space<hbm>>
      tpu.wait_indirect_dma semaphore(%arg17 : memref<!tpu.dma_semaphore, #tpu.memory_space<semaphore_mem>>) src(%arg14 : memref<1024xf32, #tpu.memory_space<vmem>>) dst(%dma_wait3A_36 : memref<64000000xf32, #tpu.memory_space<hbm>>)
    }
    %scan3A_16 = arith.constant 32 : i32
    return
  }
}

</mosaic_0001>

<sc_bundles>
// kernel: kernel.3.cloned.1.call-start
scs
__scs_entry_jumppad:
0x0: {  	(pc) =	sbr.rel $0x88, $3  }
0x1: {  	(tag) =	ssettag $0x0;
	lr =	simm.s32 $0x1  }
0x2: {  	[smem:$0x3F9E] =	sst lr;
	_ =	strace $0xD0000000  }
0x3: {  	_ = 	snop  }
0x4: {  	_ = 	snop  }
0x5: {  	_ = 	snop  }
0x6: {  	_ = 	snop  }
0x7: {  	_ = 	snop  }
__scs_overlays_trampoline_lowered:
0x8: {  	[smem:$0x3FAD] =	sst s0  }
0x9: {  	[smem:$0x3FAE] =	sst s1  }
0xa: {  	[smem:$0x3FAF] =	sst s2  }
0xb: {  	[smem:$0x3FB0] =	sst s3  }
0xc: {  	[smem:$0x3FB1] =	sst s4  }
0xd: {  	[smem:$0x3FB2] =	sst s5  }
0xe: {  	[smem:$0x3FB3] =	sst s6  }
0xf: {  	[smem:$0x3FB4] =	sst s7  }
0x10: {  	[smem:$0x3FB5] =	sst s8  }
0x11: {  	[smem:$0x3FB6] =	sst s9;
	s0 =	simm.s32 @!p0 $0x0  }
0x12: {  	s1 =	sld [smem:$0x3F9C];
	s0 =	simm.s32 @p0 $0x1  }
0x13: {  	[smem:$0x3FB7] =	sst s0;
	s0 =	simm.s32 @!p1 $0x0  }
0x14: {  	s2 =	sld [smem:$0x3F9B];
	s0 =	simm.s32 @p1 $0x1  }
0x15: {  	[smem:$0x3FB8] =	sst s0;
	s0 =	simm.s32 @!p2 $0x0  }
0x16: {  	s3 =	sld [smem:$0x3FDB];
	s0 =	simm.s32 @p2 $0x1  }
0x17: {  	s4 =	simm.s32 $0x1BF5;
	[smem:$0x3FBA] =	sst s0  }
0x18: {  	s0 =	sld [smem:$0x3F9D];
	_ =	swait.ge [sflag:s4], $0x0  }
0x19: {  	s7 =	sld [smem:$0x3F9E]  }
0x1a: {  	s8 =	sadd.s32 $0xFFFFE003, lr  }
0x1b: {  	s9 =	sadd.s32 $0xFFFFFEF7, lr;
	s5 =	simm.s32 $0xFFFFFFFF;
	p2 =	slt.u32 s8, $0xFFFFF086  }
0x1c: {  	p1 =	slt.u32 s9, $0xF7A;
	s5 =	simm.s32 @!p2 $0x0  }
0x1d: {  	s5 =	simm.s32 @p1 $0x1;
	p0 =	seq.s32 s7, s2  }
0x1e: {  	s7 =	smul.u32 @!p0 $0xF7A, s2;
	p2 =	seq.s32 @!p0 s5, $0x0  }
0x1f: {  	s9 =	smul.u32 $0xF7A, s1;
	s8 =	simm.s32 @!p0 $0x1BF5;
	p2 =	por !p2, p0  }
0x20: {  	[sflag:s8] =	ssyncset.s32 @!p0 $0xFFFFF086;
	s6 =	sadd.s32 @!p0 s3, s7;
	s7 =	simm.s32 @!p0 $0x108  }
0x21: {  	s3 =	sadd.s32 s3, s9;
	s6 =	sadd.s32 @!p0 $0x88, s6;
	s7 =	simm.s32 @p2 $0x1082  }
0x22: {  	[simem:s7], [sflag:s8] =	dma.local @!p0 [hbm:s6], $0xF7A  }
0x23: {  	s9 =	sor.u32 $0xD0000000, s2;
	s6 =	simm.s32 $0x108;
	_ =	swait.ge @!p0 [sflag:s8], $0x0  }
0x24: {  	s3 =	sadd.s32 $0x88, s3;
	s6 =	simm.s32 @!p1 $0x1082;
	[sflag:s4] =	ssyncset.s32 $0xFFFFF086  }
0x25: {  	[simem:s6], [sflag:s4] =	dma.local [hbm:s3], $0xF7A  }
0x26: {  	[smem:$0x3F9E] =	sst s1;
	(tag) =	ssettag s2;
	_ =	strace s9  }
0x27: {  	s1 =	sld [smem:$0x3FAE]  }
0x28: {  	s2 =	sld [smem:$0x3FAF]  }
0x29: {  	s4 =	sld [smem:$0x3FB1]  }
0x2a: {  	p0 =	seq.s32 s5, $0x0;
	s5 =	sld [smem:$0x3FB2]  }
0x2b: {  	s6 =	sld [smem:$0x3FB3]  }
0x2c: {  	s7 =	sld [smem:$0x3FB4]  }
0x2d: {  	s3 =	simm.s32 $0x108;
	s8 =	sld [smem:$0x3FB5]  }
0x2e: {  	s3 =	simm.s32 @!p0 $0x1082;
	s9 =	sld [smem:$0x3FB6]  }
0x2f: {  	lr =	sadd.s32 s0, s3;
	s0 =	sld [smem:$0x3FAD]  }
0x30: {  	s3 =	sld [smem:$0x3FB0]  }
0x31: {  	[smem:$0x3FB9] =	sst s10  }
0x32: {  	s10 =	sld [smem:$0x3FB7];
	_ =	sdelay $0x3  }
0x33: {  	p0 =	seq.s32 s10, $0x1;
	s10 =	sld [smem:$0x3FB9];
	_ =	sdelay $0x3  }
0x34: {  	[smem:$0x3FB9] =	sst s10  }
0x35: {  	s10 =	sld [smem:$0x3FB8];
	_ =	sdelay $0x3  }
0x36: {  	p1 =	seq.s32 s10, $0x1;
	s10 =	sld [smem:$0x3FB9];
	_ =	sdelay $0x3  }
0x37: {  	[smem:$0x3FB9] =	sst s10  }
0x38: {  	s10 =	sld [smem:$0x3FBA]  }
0x39: {  	_ = 	snop;
	(pc) =	sbr.ind lr, $3  }
0x3a: {  	_ = 	snop  }
0x3b: {  	_ = 	snop  }
0x3c: {  	p2 =	seq.s32 s10, $0x1;
	s10 =	sld [smem:$0x3FB9]  }
0x3d: {  	_ =	shalt  }
0x3e: {  	_ =	shalt  }
0x3f: {  	_ =	shalt  }
0x40: {  	_ =	shalt  }
0x41: {  	_ =	shalt  }
0x42: {  	_ =	shalt  }
0x43: {  	_ =	shalt  }
0x44: {  	_ =	shalt  }
0x45: {  	_ =	shalt  }
0x46: {  	_ =	shalt  }
0x47: {  	_ =	shalt  }
0x48: {  	_ =	shalt  }
0x49: {  	_ =	shalt  }
0x4a: {  	_ =	shalt  }
0x4b: {  	_ =	shalt  }
0x4c: {  	_ =	shalt  }
0x4d: {  	_ =	shalt  }
0x4e: {  	_ =	shalt  }
0x4f: {  	_ =	shalt  }
0x50: {  	_ =	shalt  }
0x51: {  	_ =	shalt  }
0x52: {  	_ =	shalt  }
0x53: {  	_ =	shalt  }
0x54: {  	_ =	shalt  }
0x55: {  	_ =	shalt  }
0x56: {  	_ =	shalt  }
0x57: {  	_ =	shalt  }
0x58: {  	_ =	shalt  }
0x59: {  	_ =	shalt  }
0x5a: {  	_ =	shalt  }
0x5b: {  	_ =	shalt  }
0x5c: {  	_ =	shalt  }
0x5d: {  	_ =	shalt  }
0x5e: {  	_ =	shalt  }
0x5f: {  	_ =	shalt  }
0x60: {  	_ =	shalt  }
0x61: {  	_ =	shalt  }
0x62: {  	_ =	shalt  }
0x63: {  	_ =	shalt  }
0x64: {  	_ =	shalt  }
0x65: {  	_ =	shalt  }
0x66: {  	_ =	shalt  }
0x67: {  	_ =	shalt  }
0x68: {  	_ =	shalt  }
0x69: {  	_ =	shalt  }
0x6a: {  	_ =	shalt  }
0x6b: {  	_ =	shalt  }
0x6c: {  	_ =	shalt  }
0x6d: {  	_ =	shalt  }
0x6e: {  	_ =	shalt  }
0x6f: {  	_ =	shalt  }
0x70: {  	_ =	shalt  }
0x71: {  	_ =	shalt  }
0x72: {  	_ =	shalt  }
0x73: {  	_ =	shalt  }
0x74: {  	_ =	shalt  }
0x75: {  	_ =	shalt  }
0x76: {  	_ =	shalt  }
0x77: {  	_ =	shalt  }
0x78: {  	_ =	shalt  }
0x79: {  	_ =	shalt  }
0x7a: {  	_ =	shalt  }
0x7b: {  	_ =	shalt  }
0x7c: {  	_ =	shalt  }
0x7d: {  	_ =	shalt  }
0x7e: {  	_ =	shalt  }
0x7f: {  	_ =	shalt  }
0x80: {  	_ =	shalt  }
0x81: {  	_ =	shalt  }
0x82: {  	_ =	shalt  }
0x83: {  	_ =	shalt  }
0x84: {  	_ =	shalt  }
0x85: {  	_ =	shalt  }
0x86: {  	_ =	shalt  }
0x87: {  	_ =	shalt  }
.Lfunc_end0:
.L_simem_size_0:
called_computation.1_lowered:
.L_overlay_start_0:
0x88: {  	s2 =	sld [smem:$0x3FD9]  }
0x89: {  	s3 =	sld [smem:$0x3FFE];
	_ =	sdelay $0x1  }
0x8a: {  	s1 =	srdreg.scid  }
0x8b: {  	s0 =	sand.u32 $0x1, s1  }
0x8c: {  	s18 =	sshll.u32 s0, $0xA;
	s2 =	sadd.s32 s3, s2  }
0x8d: {  	s2 =	sadd.s32 s2, s18  }
0x8e: {  	[smem:$0x3FC5] =	sst s2  }
0x8f: {  	_ = 	snop  }
0x90: {  	s2 =	sld [smem:$0x3FC8]  }
0x91: {  	s19 =	sld [smem:$0x3FC7]  }
0x92: {  	s4 =	sld [smem:$0x3FD0];
	(tm) =	ssettm $0x1  }
0x93: {  	s5 =	sld [smem:$0x3FFB];
	_ =	sdelay $0x3  }
0x94: {  	_ =	strace s5  }
0x95: {  	s5 =	sld [smem:$0x3FFC];
	_ =	sdelay $0x3  }
0x96: {  	_ =	strace s5  }
0x97: {  	s5 =	sld [smem:$0x3FFD];
	_ =	sdelay $0x3  }
0x98: {  	_ =	strace s5  }
0x99: {  	_ =	strace $0x8FFFFFFF  }
0x9a: {  	s20 =	sld [smem:$0x3FDB];
	_ =	sdelay $0x1  }
0x9b: {  	s6 =	simm.s32 $_scs_section_size  }
0x9c: {  	s7 =	simm.s32 $_size__tile_overlayer_lowered;
	s8 =	simm.s32 $_tile_overlayer_lowered  }
0x9d: {  	s23 =	simm.s32 $0x1BFF;
	s22 =	sshll.u32 s8, $0x1;
	s5 =	sadd.s32 s6, s20  }
0x9e: {  	s9 =	simm.s32 $0x0;
	s21 =	sshll.u32 s7, $0x1;
	s7 =	sadd.s32 s22, s5  }
0x9f: {  	[timem:s9], [sflag:s23] =	dma.local [hbm:s7], s21  }
0xa0: {  	_ =	swait.ge [sflag:s23], s21  }
0xa1: {  	s6 =	ssub.s32 $0x0, s21;
	[sflag:s23] =	ssyncset.done $0x0  }
0xa2: {  	[sflag:s23] =	ssyncadd.s32 s6;
	_ =	sdelay $0x1  }
0xa3: {  	s24 =	simm.s32 $0x1B8B  }
0xa4: {  	_ =	swait.ge [sflag:s24], $0x1  }
0xa5: {  	[sflag:s24] =	ssyncset.done $0x0  }
0xa6: {  	s25 =	simm.s32 $0x1B8E;
	[sflag:s24] =	ssyncadd.s32 $0xFFFFFFFF  }
0xa7: {  	s26 =	simm.s32 $execute0_lowered;
	[smem:$0x3FD2] =	sst s25  }
0xa8: {  	s6 =	sshll.u32 s26, $0x1;
	_ =	strace $0x80000046;
	[dreg:$0x1] =	wrdreg $0xFFFFFFFF  }
0xa9: {  	s28 =	simm.s32 $_size_execute0_lowered;
	s5 =	sadd.s32 s5, s6;
	[dreg:$0x0] =	wrdreg $0x0  }
0xaa: {  	s6 =	sshll.u32 s28, $0x1;
	[dreg:$0x2] =	wrdreg s5  }
0xab: {  	[dreg:$0x3] =	wrdreg s6  }
0xac: {  	[dreg:$0x4] =	wrdreg $0xC0  }
0xad: {  	_ =	task [dreg:s9], $0x5FFFF  }
0xae: {  	[dreg:$0x1] =	wrdreg $0xFFFFFFFF  }
0xaf: {  	[dreg:$0x0] =	wrdreg $0x60  }
0xb0: {  	[dreg:$0x2] =	wrdreg s4  }
0xb1: {  	[dreg:$0x3] =	wrdreg s2  }
0xb2: {  	[dreg:$0x4] =	wrdreg s19  }
0xb3: {  	[dreg:$0x5] =	wrdreg $0x28000  }
0xb4: {  	[dreg:$0x6] =	wrdreg $0x9  }
0xb5: {  	_ =	task.clear_ibuf [dreg:s9], $0x7FFFF;
	_ =	strace $0x90000046  }
0xb6: {  	s29 =	simm.s32 $0x9;
	_ =	strace $0x80000048  }
0xb7: {  	_ =	swait.ge [sflag:s29], $0x1  }
0xb8: {  	[sflag:s29] =	ssyncadd.s32 $0xFFFFFFFF  }
0xb9: {  	_ =	strace $0x90000048  }
0xba: {  	_ =	sfence  }
0xbb: {  	s30 =	sld [smem:$0x0];
	_ =	sdelay $0x2  }
0xbc: {  	s31 =	sshll.u32 s1, $0xD;
	s1 =	sshrl.u32 s1, $0x2  }
0xbd: {  	s3 =	sand.u32 $0x4000, s31;
	s1 =	sadd.s32 s1, s30  }
0xbe: {  	s0 =	sor.u32 s3, s0;
	s1 =	sshll.u32 s1, $0x11  }
0xbf: {  	s0 =	sor.u32 s1, s0  }
0xc0: {  	s0 =	sadd.s32 $0x8F2B, s0  }
0xc1: {  	[sflag:s0] =	ssyncadd.remote.s32 $0x1  }
0xc2: {  	_ =	sfence.sel $0xFFFF  }
0xc3: {  	[dreg:$0x0] =	wrdreg $0xFFFFFFFF;
	(pc) =	sbr.abs _section_cstart, $3  }
0xc4: {  	[dreg:$0x1] =	wrdreg $0xFFFFFFFF  }
0xc5: {  	_ =	task.clear_ibuf [dreg:s9], $0x2FFFF;
	_ =	strace $0x9FFFFFFF  }
0xc6: {  	(tm) =	ssettm $0x7FFFFFFF  }
0xc7: {  	_ =	shalt  }
tec
execute0_lowered:
.L_overlay_start_1:
0x0: {  	(tag) =	ssettag $0x1  }
0x1: {  	s1 =	rddreg [dreg:$0x0]  }
0x2: {  	s2 =	rddreg [dreg:$0x1]  }
0x3: {  	s3 =	rddreg [dreg:$0x2]  }
0x4: {  	s4 =	rddreg [dreg:$0x3];
	s5 =	srdreg.scid  }
0x5: {  	s0 =	rddreg [dreg:$0x4];
	s6 =	simm.s32 $0x0;
	s12 =	simm.s32 $0x1400  }
0x6: {  	s13 =	simm.s32 $0x2;
	s14 =	simm.s32 $0x80;
	s15 =	simm.s32 $0x400  }
0x7: {  	s16 =	simm.s32 $0xC00;
	s17 =	simm.s32 $0x800;
	s18 =	simm.s32 $0x1000  }
0x8: {  	s19 =	simm.s32 $0x1;
	s20 =	simm.s32 $0x1800;
	s21 =	simm.s32 $0x1C00  }
0x9: {  	s22 =	simm.s32 $0x2400;
	s23 =	simm.s32 $0x2000;
	s9 =	sand.u32 $0x1, s5  }
0xa: {  	[smem:$0x7FF] =	sst s6;
	s5 =	stileid.u32;
	s7 =	ssub.s32 $0x2, s9  }
0xb: {  	_ =	strace $0x80000047;
	s10 =	sshll.u32 s5, $0x10;
	s8 =	sshrl.u32 s7, $0x1  }
0xc: {  	s9 =	sshll.u32 s9, $0x5;
	s11 =	ssub.s32 s7, s8;
	s8 =	sshll.u32 s5, $0xA  }
0xd: {  	v0 =	vimm.f32 $1.000000000e+00;
	v1 =	vimm.f32 $0.0e+00;
	v2 =	vlaneseq.u32;
	s7 =	sadd.s32 s10, s4;
	s10 =	smax.u32 s11, $0x1;
	s11 =	sor.u32 $0xF4240, s8  }
.LBB2_1:
0xe: {  	s24 =	simm.s32 $0x0  }
.LBB2_2:
0xf: {  	p0 =	sne.s32 s24, $0xFC0  }
.Ltmp0:
0x10: {  	_ = 	snop;
	(pc) =	sbr.rel @p0 .LBB2_2-.Ltmp0, $4  }
0x11: {  	_ = 	snop  }
0x12: {  	s25 =	sshra.s32 s24, $0x2  }
0x13: {  	[tilespmem:s25+$0x1000] =	vst v0  }
0x14: {  	s24 =	sadd.s32 $0x40, s24;
	[tilespmem:s25+$0x1400] =	vst v1  }
0x15: {  	s24 =	sadd.s32 $0x0, s7  }
0x16: {  	[spmem:s24] =	stream.linear.scatter [tilespmem:s12], [sflag:$0x2], $0x400, $0x38;
	[tilespmem:$0x12800] =	vst v63  }
0x17: {  	s24 =	simm.s32 $0x1000;
	_ =	swait.ge [sflag:s13], $0x400  }
.LBB2_4:
0x18: {  	s25 =	sshra.s32 s24, $0x2;
	[sflag:s13] =	ssyncset.done $0x0;
	p0 =	sne.s32 s24, $0x3F000  }
.Ltmp1:
0x19: {  	s25 =	sadd.s32 s25, s7;
	[sflag:s13] =	ssyncadd.s32 $0xFFFFFC00;
	(pc) =	sbr.rel @p0 .LBB2_4-.Ltmp1, $3  }
0x1a: {  	[spmem:s25] =	stream.linear.scatter [tilespmem:s12], [sflag:$0x2], $0x400, $0x38;
	[tilespmem:$0x12800] =	vst v63  }
0x1b: {  	s24 =	sadd.s32 $0x1000, s24;
	_ =	sdelay $0x1  }
0x1c: {  	_ =	swait.ge [sflag:s13], $0x400  }
0x1d: {  	[sflag:s13] =	ssyncset.done $0x0  }
0x1e: {  	[sflag:s13] =	ssyncadd.s32 $0xFFFFFC00  }
0x1f: {  	s24 =	simm.s32 $0x0;
	s25 =	simm.s32 $0x0;
	[bflag:$0x0] =	sbarrier.arrive $0xFFFF  }
.LBB2_6:
0x20: {  	s28 =	sadd.s32 s9, s25  }
0x21: {  	s29 =	sshll.u32 s25, $0x4;
	s26 =	sshll.u32 s28, $0xB  }
0x22: {  	s29 =	sand.u32 $0x70, s29;
	s26 =	sand.u32 $0x1C000, s26  }
0x23: {  	s26 =	sor.u32 s26, s29  }
0x24: {  	s26 =	sor.u32 s8, s26  }
0x25: {  	s31 =	sadd.s32 s2, s26  }
0x26: {  	[tilespmem:s24], [sflag:$0x2] =	stream.strided.gather [hbm4b:s31+s14], $0x400, s15, s14, $0x38;
	[tilespmem:$0x12800] =	vst v63  }
0x27: {  	_ =	swait.ge [sflag:s13], $0x400  }
0x28: {  	[sflag:s13] =	ssyncset.done $0x0  }
0x29: {  	s26 =	sadd.s32 s3, s26;
	[sflag:s13] =	ssyncadd.s32 $0xFFFFFC00  }
0x2a: {  	[tilespmem:s16], [sflag:$0x2] =	stream.strided.gather [hbm4b:s26+s14], $0x400, s15, s14, $0x38;
	[tilespmem:$0x12800] =	vst v63  }
0x2b: {  	_ =	swait.ge [sflag:s13], $0x400  }
0x2c: {  	[sflag:s13] =	ssyncset.done $0x0  }
0x2d: {  	s26 =	simm.s32 $0x0;
	[sflag:s13] =	ssyncadd.s32 $0xFFFFFC00  }
0x2e: {  	v4 =	vld [tilespmem:s26+$0x0]  }
0x2f: {  	v3 =	vmov s28;
	s28 =	simm.s32 $0x40;
	v5 =	vld [tilespmem:s26+$0xC00]  }
.LBB2_7:
0x30: {  	p0 =	sne.s32 s28, $0xFC0  }
.Ltmp2:
0x31: {  	_ = 	snop;
	(pc) =	sbr.rel @p0 .LBB2_7-.Ltmp2, $4  }
0x32: {  	_ = 	snop  }
0x33: {  	s29 =	sshra.s32 s28, $0x2;
	s28 =	sadd.s32 $0x40, s28;
	v6 =	vshll.u32 v4, $0x6  }
0x34: {  	v4 =	vld [tilespmem:s29+$0x0];
	v6 =	vadd.s32 v3, v6;
	[tilespmem:s26+$0x2000] =	vst v5  }
0x35: {  	v5 =	vld [tilespmem:s29+$0xC00];
	[tilespmem:s26+$0x2400] =	vst v6;
	s26 =	smov.u32 s29  }
0x36: {  	_ =	sdelay $0x2  }
0x37: {  	v4 =	vshll.u32 v4, $0x6  }
0x38: {  	v3 =	vadd.s32 v3, v4;
	[tilespmem:s26+$0x2000] =	vst v5  }
0x39: {  	s28 =	simm.s32 $0x0;
	p1 =	por $0x1, $0x1;
	[tilespmem:s26+$0x2400] =	vst v3  }
.LBB2_9:
0x3a: {  	s26 =	simm.s32 $0x0  }
0x3b: {  	v5 =	vld [tilespmem:s26+$0x0];
	_ =	sdelay $0x2  }
0x3c: {  	s29 =	sadd.s32 $0x7A120, s28  }
0x3d: {  	p0 =	por p1, p1;
	v3 =	vmov s28;
	s28 =	smov.u32 s11;
	v4 =	vmov s29;
	s29 =	simm.s32 $0x40  }
.LBB2_10:
0x3e: {  	s30 =	sshra.s32 s29, $0x2;
	p1 =	sne.s32 s29, $0xFC0;
	s29 =	sadd.s32 $0x40, s29;
	vm0 =	vge.s32 v5, v3;
	vm1 =	vlt.s32 v5, v4;
	v6 =	vsub.s32 v5, v3  }
.Ltmp3:
0x3f: {  	v7 =	vor.u32 s28, v2;
	v5 =	vld [tilespmem:s30+$0x0];
	vm0 =	vmand vm0, vm1;
	v8 =	vadd.s32 $0x7A120, v6;
	(pc) =	sbr.rel @p1 .LBB2_10-.Ltmp3, $4  }
0x40: {  	v6 =	vsel vm0, v6, v7;
	v7 =	vsel vm0, v8, v7  }
0x41: {  	[tilespmem:s26+$0x800] =	vst v7  }
0x42: {  	[tilespmem:s26+$0x400] =	vst v6;
	s26 =	smov.u32 s30  }
0x43: {  	s28 =	sadd.s32 $0x10, s28  }
0x44: {  	vm0 =	vge.s32 v5, v3;
	vm1 =	vlt.s32 v5, v4;
	v5 =	vsub.s32 v5, v3  }
0x45: {  	v6 =	vor.u32 s28, v2;
	vm0 =	vmand vm0, vm1;
	v7 =	vadd.s32 $0x7A120, v5  }
0x46: {  	v7 =	vsel vm0, v7, v6  }
0x47: {  	v5 =	vsel vm0, v5, v6;
	[tilespmem:s26+$0x800] =	vst v7  }
0x48: {  	[tilespmem:s26+$0x400] =	vst v5  }
0x49: {  	[spmem:s4] =	stream.indirect.scatter.add.f32 [tilespmem:s16], [sflag:$0x1], $0x1, s15, s15, $0xb8;
	[tilespmem:$0x12800] =	vst v63  }
0x4a: {  	_ = 	snop  }
0x4b: {  	[spmem:s4] =	stream.indirect.scatter.add.f32 [tilespmem:s18], [sflag:$0x1], $0x1, s17, s15, $0xb8;
	[tilespmem:$0x12800] =	vst v63  }
0x4c: {  	_ =	swait.ge [sflag:s19], $0x400  }
0x4d: {  	[sflag:s19] =	ssyncset.done $0x0  }
0x4e: {  	[sflag:s19] =	ssyncadd.s32 $0xFFFFFC00  }
0x4f: {  	_ =	swait.ge [sflag:s19], $0x400  }
0x50: {  	[sflag:s19] =	ssyncset.done $0x0  }
0x51: {  	[sflag:s19] =	ssyncadd.s32 $0xFFFFFC00  }
0x52: {  	[bflag:$0x0] =	sbarrier.arrive $0xFFFF  }
0x53: {  	[tilespmem:s20], [sflag:$0x1] =	stream.indirect.gather [spmem:s4], $0x1, s15, s15, $0xb8;
	[tilespmem:$0x12800] =	vst v63  }
0x54: {  	_ = 	snop  }
0x55: {  	[tilespmem:s21], [sflag:$0x1] =	stream.indirect.gather [spmem:s4], $0x1, s17, s15, $0xb8;
	[tilespmem:$0x12800] =	vst v63  }
0x56: {  	_ =	swait.ge [sflag:s19], $0x400  }
0x57: {  	[sflag:s19] =	ssyncset.done $0x0  }
0x58: {  	[sflag:s19] =	ssyncadd.s32 $0xFFFFFC00  }
0x59: {  	_ =	swait.ge [sflag:s19], $0x400  }
0x5a: {  	[sflag:s19] =	ssyncset.done $0x0  }
0x5b: {  	[sflag:s19] =	ssyncadd.s32 $0xFFFFFC00  }
0x5c: {  	[bflag:$0x0] =	sbarrier.arrive $0xFFFF  }
0x5d: {  	[spmem:s4] =	stream.indirect.scatter [tilespmem:s12], [sflag:$0x1], $0x1, s15, s15, $0xb8;
	[tilespmem:$0x12800] =	vst v63  }
0x5e: {  	s29 =	simm.s32 $0x0  }
0x5f: {  	[spmem:s4] =	stream.indirect.scatter [tilespmem:s12], [sflag:$0x1], $0x1, s17, s15, $0xb8;
	[tilespmem:$0x12800] =	vst v63  }
0x60: {  	v6 =	vld [tilespmem:s29+$0x1C00];
	_ =	sdelay $0x4  }
0x61: {  	s26 =	simm.s32 $0x10;
	(erf) = vrcp.f32 v6  }
0x62: {  	v7 =	vld [tilespmem:s26+$0x1C00];
	_ =	sdelay $0x2  }
0x63: {  	v5 =	vld [tilespmem:s29+$0x0]  }
0x64: {  	v6 =	vld [tilespmem:s29+$0x1800]  }
0x65: {  	(erf) = vrcp.f32 v7  }
0x66: {  	v7 =	vld [tilespmem:s29+$0x2000]  }
0x67: {  	s28 =	simm.s32 $0x20;
	s30 =	simm.s32 $0xC0  }
.LBB2_12:
0x68: {  	p1 =	sne.s32 s30, $0xFC0;
	v8 =	vld [tilespmem:s28+$0x1C00];
	v9 =	vpop (erf)  }
0x69: {  	vm0 =	vge.s32 v5, v3;
	vm1 =	vlt.s32 v5, v4;
	v9 =	vmul.f32 v9, v6  }
.Ltmp4:
0x6a: {  	vm0 =	vmand vm0, vm1;
	v5 =	vld [tilespmem:s26+$0x0];
	(pc) =	sbr.rel @p1 .LBB2_12-.Ltmp4, $4  }
0x6b: {  	v6 =	vld [tilespmem:s26+$0x1800];
	v7 =	vsel vm0, v9, v7  }
0x6c: {  	[tilespmem:s29+$0x2000] =	vst v7;
	s29 =	smov.u32 s26;
	s26 =	smov.u32 s28  }
0x6d: {  	(erf) = vrcp.f32 v8;
	v7 =	vld [tilespmem:s29+$0x2000]  }
0x6e: {  	s28 =	sshra.s32 s30, $0x2;
	s30 =	sadd.s32 $0x40, s30  }
0x6f: {  	v8 =	vld [tilespmem:s28+$0x1C00];
	v9 =	vpop (erf)  }
0x70: {  	vm0 =	vge.s32 v5, v3;
	vm1 =	vlt.s32 v5, v4;
	v56 =	vmul.f32 v9, v6  }
0x71: {  	v57 =	vld [tilespmem:s26+$0x0];
	vm0 =	vmand vm0, vm1  }
0x72: {  	v58 =	vld [tilespmem:s26+$0x1800];
	v5 =	vsel vm0, v56, v7  }
0x73: {  	[tilespmem:s29+$0x2000] =	vst v5  }
0x74: {  	(erf) = vrcp.f32 v8;
	v5 =	vld [tilespmem:s26+$0x2000];
	_ =	sdelay $0x1  }
0x75: {  	v59 =	vpop (erf)  }
0x76: {  	vm12 =	vge.s32 v57, v3;
	vm13 =	vlt.s32 v57, v4;
	v60 =	vmul.f32 v59, v58  }
0x77: {  	v61 =	vld [tilespmem:s28+$0x0];
	vm0 =	vmand vm12, vm13  }
0x78: {  	v62 =	vld [tilespmem:s28+$0x1800];
	v5 =	vsel vm0, v60, v5  }
0x79: {  	[tilespmem:s26+$0x2000] =	vst v5  }
0x7a: {  	v5 =	vld [tilespmem:s28+$0x2000];
	_ =	sdelay $0x1  }
0x7b: {  	v63 =	vpop (erf)  }
0x7c: {  	vm14 =	vge.s32 v61, v3;
	vm15 =	vlt.s32 v61, v4;
	v3 =	vmul.f32 v63, v62  }
0x7d: {  	vm0 =	vmand vm14, vm15  }
0x7e: {  	v3 =	vsel vm0, v3, v5  }
0x7f: {  	[tilespmem:s28+$0x2000] =	vst v3  }
0x80: {  	_ =	swait.ge [sflag:s19], $0x400  }
0x81: {  	[sflag:s19] =	ssyncset.done $0x0  }
0x82: {  	[sflag:s19] =	ssyncadd.s32 $0xFFFFFC00  }
.Ltmp5:
0x83: {  	_ =	swait.ge [sflag:s19], $0x400;
	(pc) =	sbr.rel @p0 .LBB2_9-.Ltmp5, $4  }
0x84: {  	[sflag:s19] =	ssyncset.done $0x0  }
0x85: {  	[sflag:s19] =	ssyncadd.s32 $0xFFFFFC00  }
0x86: {  	[bflag:$0x0] =	sbarrier.arrive $0xFFFF  }
0x87: {  	p1 =	por $0x0, $0x0;
	s28 =	simm.s32 $0x7A120  }
0x88: {  	s25 =	sadd.s32 $0x1, s25  }
0x89: {  	p0 =	sne.s32 s25, $0x20  }
.Ltmp6:
0x8a: {  	_ = 	snop;
	(pc) =	sbr.rel @p0 .LBB2_6-.Ltmp6, $4  }
0x8b: {  	[hbm4b:s1+s15] =	stream.indirect.scatter [tilespmem:s23], [sflag:$0x1], $0x1, s22, s15, $0xb8;
	[tilespmem:$0x12800] =	vst v63  }
0x8c: {  	_ =	swait.ge [sflag:s19], $0x400  }
0x8d: {  	[sflag:s19] =	ssyncset.done $0x0  }
0x8e: {  	[sflag:s19] =	ssyncadd.s32 $0xFFFFFC00  }
0x8f: {  	s6 =	sadd.s32 $0x1, s6  }
0x90: {  	p0 =	sne.s32 s6, s10  }
.Ltmp7:
0x91: {  	_ = 	snop;
	(pc) =	sbr.rel @p0 .LBB2_1-.Ltmp7, $1  }
0x92: {  	_ =	sdelay $0x3  }
0x93: {  	_ =	sfence.sel $0x180000  }
0x94: {  	[bflag:$0x0] =	sbarrier.arrive $0xFFFF  }
0x95: {  	p0 =	sne.s32 s5, $0x0;
	_ =	strace $0x90000047  }
0x96: {  	s0 =	sadd.s32 @!p0 $0x100000, s0;
	[bflag:$0x2] =	sbarrier.arrive $0xFFFF  }
0x97: {  	[sflag:s0] =	ssyncadd.tile.s32 @!p0 $0x1;
	_ =	shalt  }
.Lfunc_end2:
_tile_overlayer_lowered:
.L_overlay_start_2:
0x98: {  	(tag) =	ssettag $0x2  }
0x99: {  	s0 =	rddreg [dreg:$0x0];
	s2 =	stileid.u32  }
0x9a: {  	s1 =	rddreg [dreg:$0x1];
	p0 =	sne.s32 s2, $0x0  }
0x9b: {  	s3 =	rddreg [dreg:$0x2];
	[bflag:$0x3] =	sbarrier.arrive $0xFFFF;
	s2 =	simm.s32 @!p0 $0x1C02  }
0x9c: {  	[timem:s3], [sflag:s2] =	dma.local @!p0 [hbm:s0], s1  }
0x9d: {  	s0 =	simm.s32 @!p0 $0x2  }
0x9e: {  	_ =	swait.ge @!p0 [sflag:s0], s1  }
0x9f: {  	s1 =	ssub.s32 @!p0 $0x0, s1;
	[sflag:s0] =	ssyncset.done @!p0 $0x0  }
0xa0: {  	[sflag:s0] =	ssyncadd.s32 @!p0 s1  }
0xa1: {  	[bflag:$0x3] =	sbarrier.arrive $0xFFFF  }
0xa2: {  	_ =	shalt  }

// kernel: sparse-core-data-format-call.cloned.1.call-start
scs
called_computation_lowered:
.L_overlay_start_0:
0x0: {  	s2 =	sld [smem:$0x3FD9]  }
0x1: {  	s3 =	sld [smem:$0x3FFE];
	_ =	sdelay $0x1  }
0x2: {  	s1 =	srdreg.scid  }
0x3: {  	s0 =	sand.u32 $0x1, s1  }
0x4: {  	s18 =	sshll.u32 s0, $0xA;
	s2 =	sadd.s32 s3, s2  }
0x5: {  	s2 =	sadd.s32 s2, s18  }
0x6: {  	[smem:$0x3FC5] =	sst s2  }
0x7: {  	_ = 	snop  }
0x8: {  	s2 =	sld [smem:$0x3FD0];
	(tm) =	ssettm $0x1  }
0x9: {  	s19 =	sld [smem:$0x3FFB];
	_ =	sdelay $0x3  }
0xa: {  	_ =	strace s19  }
0xb: {  	s3 =	sld [smem:$0x3FFC];
	_ =	sdelay $0x3  }
0xc: {  	_ =	strace s3  }
0xd: {  	s3 =	sld [smem:$0x3FFD];
	_ =	sdelay $0x3  }
0xe: {  	_ =	strace s3  }
0xf: {  	_ =	strace $0x8FFFFFFF  }
0x10: {  	s20 =	sld [smem:$0x3FDB];
	_ =	sdelay $0x1  }
0x11: {  	s4 =	simm.s32 $_scs_section_size  }
0x12: {  	s5 =	simm.s32 $_size__tile_overlayer_lowered;
	s6 =	simm.s32 $_tile_overlayer_lowered  }
0x13: {  	s23 =	simm.s32 $0x1BFF;
	s22 =	sshll.u32 s6, $0x1;
	s3 =	sadd.s32 s4, s20  }
0x14: {  	s7 =	simm.s32 $0x0;
	s21 =	sshll.u32 s5, $0x1;
	s5 =	sadd.s32 s22, s3  }
0x15: {  	[timem:s7], [sflag:s23] =	dma.local [hbm:s5], s21  }
0x16: {  	_ =	swait.ge [sflag:s23], s21  }
0x17: {  	s4 =	ssub.s32 $0x0, s21;
	[sflag:s23] =	ssyncset.done $0x0  }
0x18: {  	[sflag:s23] =	ssyncadd.s32 s4;
	_ =	sdelay $0x1  }
0x19: {  	s24 =	simm.s32 $0x1B8B  }
0x1a: {  	_ =	swait.ge [sflag:s24], $0x1  }
0x1b: {  	[sflag:s24] =	ssyncset.done $0x0  }
0x1c: {  	s26 =	simm.s32 $0x1B8E;
	s25 =	sld [smem:$0x3FFE];
	[sflag:s24] =	ssyncadd.s32 $0xFFFFFFFF  }
0x1d: {  	s27 =	simm.s32 $execute0_lowered;
	[smem:$0x3FD2] =	sst s26  }
0x1e: {  	s5 =	sshll.u32 s27, $0x1;
	_ =	strace $0x80000049;
	[dreg:$0x1] =	wrdreg $0xFFFFFFFF  }
0x1f: {  	s28 =	simm.s32 $_size_execute0_lowered;
	s3 =	sadd.s32 s3, s5;
	[dreg:$0x0] =	wrdreg $0x0  }
0x20: {  	s5 =	sshll.u32 s28, $0x1;
	[dreg:$0x2] =	wrdreg s3  }
0x21: {  	[dreg:$0x3] =	wrdreg s5  }
0x22: {  	[dreg:$0x4] =	wrdreg $0xC0  }
0x23: {  	_ =	task [dreg:s7], $0x5FFFF  }
0x24: {  	[dreg:$0x1] =	wrdreg $0xFFFFFFFF  }
0x25: {  	[dreg:$0x0] =	wrdreg $0x60  }
0x26: {  	[dreg:$0x2] =	wrdreg s25  }
0x27: {  	[dreg:$0x3] =	wrdreg s2  }
0x28: {  	[dreg:$0x4] =	wrdreg $0x9  }
0x29: {  	_ =	task.clear_ibuf [dreg:s7], $0x5FFFF;
	_ =	strace $0x90000049  }
0x2a: {  	s29 =	simm.s32 $0x9;
	_ =	strace $0x8000004B  }
0x2b: {  	_ =	swait.ge [sflag:s29], $0x1  }
0x2c: {  	[sflag:s29] =	ssyncadd.s32 $0xFFFFFFFF  }
0x2d: {  	_ =	strace $0x9000004B  }
0x2e: {  	_ =	sfence  }
0x2f: {  	s30 =	sld [smem:$0x0];
	_ =	sdelay $0x2  }
0x30: {  	s31 =	sshll.u32 s1, $0xD;
	s1 =	sshrl.u32 s1, $0x2  }
0x31: {  	s3 =	sand.u32 $0x4000, s31;
	s1 =	sadd.s32 s1, s30  }
0x32: {  	s0 =	sor.u32 s3, s0;
	s1 =	sshll.u32 s1, $0x11  }
0x33: {  	s0 =	sor.u32 s1, s0  }
0x34: {  	s0 =	sadd.s32 $0x8F2B, s0  }
0x35: {  	[sflag:s0] =	ssyncadd.remote.s32 $0x1  }
0x36: {  	_ =	sfence.sel $0xFFFF  }
0x37: {  	[dreg:$0x0] =	wrdreg $0xFFFFFFFF;
	(pc) =	sbr.abs _section_cstart, $3  }
0x38: {  	[dreg:$0x1] =	wrdreg $0xFFFFFFFF  }
0x39: {  	_ =	task.clear_ibuf [dreg:s7], $0x2FFFF;
	_ =	strace $0x9FFFFFFF  }
0x3a: {  	(tm) =	ssettm $0x7FFFFFFF  }
0x3b: {  	_ =	shalt  }
tec
execute0_lowered:
.L_overlay_start_1:
0x0: {  	(tag) =	ssettag $0x1  }
0x1: {  	s4 =	rddreg [dreg:$0x0]  }
0x2: {  	s0 =	srdreg.scid;
	s2 =	rddreg [dreg:$0x1]  }
0x3: {  	s1 =	stileid.u32;
	s5 =	simm.s32 $0x1;
	s0 =	sshll.u32 s0, $0x4  }
0x4: {  	s7 =	simm.s32 $0x2;
	s11 =	simm.s32 $0x0;
	s3 =	sand.u32 $0x10, s0  }
.Ltmp0:
0x5: {  	p0 =	por $0x0, $0x0;
	s3 =	sor.u32 s1, s3;
	(pc) =	sbr.rel .LBB1_1-.Ltmp0, $4  }
0x6: {  	s8 =	simm.s32 $0x7A1400;
	s10 =	simm.s32 $0x0;
	s3 =	sshll.u32 s3, $0x7  }
0x7: {  	s0 =	rddreg [dreg:$0x2];
	_ =	strace $0x8000004A;
	s6 =	ssub.s32 $0xF4200, s3  }
0x8: {  	s4 =	sadd.s32 $0x800, s4;
	[sflag:s5] =	ssyncpa.u1 $0x0;
	s6 =	sshrl.u32 s6, $0xC  }
0x9: {  	[sflag:s7] =	ssyncpa.u1 $0x0;
	s9 =	smov.u32 s3;
	s7 =	sadd.s32 $0x2, s6  }
.LBB1_5:
0xa: {  	s13 =	sadd.s32 $0x1000, s9  }
0xb: {  	p2 =	sgt.s32 s13, $0xF423F  }
0xc: {  	s13 =	smov.u32 @p2 s3;
	p2 =	sne.s32 s10, s7  }
.Ltmp1:
0xd: {  	p1 =	slt.u32 s10, $0x2;
	(pc) =	sbr.rel @!p2 .LBB1_6-.Ltmp1, $4  }
0xe: {  	s12 =	simm.s32 @!p1 $0x2  }
0xf: {  	s14 =	sadd.s32 $0x1, s10;
	_ =	swait.ge @!p1 [sflag:s12], $0x2000  }
0x10: {  	s11 =	smov.u32 s9;
	p0 =	por !p0, !p0;
	[sflag:s12] =	ssyncset.done @!p1 $0x0  }
0x11: {  	s10 =	smov.u32 s14;
	s9 =	smov.u32 s13;
	[sflag:s12] =	ssyncadd.s32 @!p1 $0xFFFFE000  }
.LBB1_1:
0x12: {  	p1 =	sgt.u32 s10, s6  }
0x13: {  	s13 =	smov.u32 s9;
	p2 =	sgt.s32 @!p1 s9, $0xF41C0  }
0x14: {  	s12 =	sand.u32 @!p1 $0x1FFFFFF, s9;
	s14 =	sshra.s32 @!p1 s9, $0x1F;
	p2 =	por !p2, p1  }
0x15: {  	s15 =	smulhi.u32 @!p1 $0x218DEF5, s12;
	s14 =	sand.u32 @!p1 s14, s9;
	s13 =	simm.s32 @p2 $0xF41C0  }
0x16: {  	s13 =	ssub.s32 @!p1 s13, s14  }
0x17: {  	s14 =	sshrl.u32 @!p1 s15, $0xD;
	s13 =	sadd.s32 @!p1 $0xFFF0BE40, s13  }
0x18: {  	s15 =	sxor.u32 @!p1 $0xFFFFFFFF, s10;
	s14 =	smul.u32 @!p1 $0xF4240, s14;
	s16 =	sshll.u32 @!p1 s13, $0x8  }
0x19: {  	s15 =	sshll.u32 @!p1 s15, $0xD;
	p2 =	sgt.s32 @!p1 s13, $0x7F;
	s13 =	ssub.s32 @!p1 $0x8000, s16  }
0x1a: {  	s12 =	ssub.s32 @!p1 s12, s14;
	p2 =	por !p2, p1;
	s14 =	sand.u32 @!p1 $0x2000, s15  }
0x1b: {  	s15 =	simm.s32 @!p1 $0x40;
	s13 =	sshrl.u32 @!p1 s13, $0x2;
	s12 =	sshll.u32 @!p1 s12, $0x4  }
0x1c: {  	s16 =	simm.s32 @!p1 $0x80;
	s13 =	simm.s32 @!p2 $0x0;
	s12 =	sadd.s32 @!p1 s4, s12  }
0x1d: {  	[tilespmem:s14], [sflag:$0x1] =	stream.strided.gather @!p1 [hbm4b:s12+s15], s13, s16, s15, $0x38;
	[tilespmem:$0x8080] =	vst v63  }
0x1e: {  	p1 =	seq.s32 s10, $0x0  }
0x1f: {  	p2 =	sge.u32 @!p1 s10, s7  }
0x20: {  	p1 =	por p1, p2  }
.Ltmp2:
0x21: {  	_ = 	snop;
	(pc) =	sbr.rel @p1 .LBB1_5-.Ltmp2, $1  }
0x22: {  	_ =	sdelay $0x3  }
0x23: {  	p1 =	sgt.s32 s11, $0xF41C0;
	s12 =	smov.u32 s11;
	s13 =	sshra.s32 s11, $0x1F  }
0x24: {  	s12 =	simm.s32 @!p1 $0xF41C0;
	s13 =	sand.u32 s13, s11  }
0x25: {  	s12 =	ssub.s32 s12, s13  }
0x26: {  	s12 =	sadd.s32 $0xFFF0BE40, s12  }
0x27: {  	s28 =	sshll.u32 s12, $0x8  }
0x28: {  	s13 =	ssub.s32 $0x8000, s28  }
0x29: {  	p1 =	sgt.s32 s12, $0x7F;
	s12 =	sshrl.u32 s13, $0x2  }
0x2a: {  	s13 =	simm.s32 $0x1;
	s12 =	simm.s32 @p1 $0x0  }
0x2b: {  	s13 =	simm.s32 @!p0 $0x0;
	_ =	swait.ge [sflag:s5], s12  }
0x2c: {  	s14 =	sshll.u32 s13, $0xD;
	s12 =	ssub.s32 $0x0, s12;
	[sflag:s5] =	ssyncset.done $0x0  }
0x2d: {  	s16 =	sor.u32 $0x20, s14;
	[sflag:s5] =	ssyncadd.s32 s12  }
0x2e: {  	s29 =	smul.u32 $0x8100, s13;
	v3 =	vld [tilespmem:s16+$0x10]  }
0x2f: {  	s30 =	sand.u32 $0x1, s10;
	v2 =	vld [tilespmem:s16+$0xFFFFFFF0]  }
0x30: {  	s13 =	smul.u32 $0x8100, s30;
	s12 =	sshrl.u32 s29, $0x2;
	v0 =	vld [tilespmem:s16+$0x0]  }
0x31: {  	s14 =	sor.u32 $0x4000, s12;
	v1 =	vld [tilespmem:s16+$0xFFFFFFE0]  }
0x32: {  	s31 =	sshrl.u32 s13, $0x2;
	s13 =	sadd.s32 $0x0, s14  }
0x33: {  	s15 =	simm.s32 $0x4;
	s12 =	sor.u32 $0x4000, s31;
	s16 =	sadd.s32 $0x40, s16;
	[tilespmem:s13+$0x1830 ss:$0x81] =	vst.msk $0xffff, v3  }
.LBB1_3:
0x34: {  	v3 =	vld [tilespmem:s16+$0x10];
	p1 =	sne.s32 s15, $0x1FC;
	[tilespmem:s13+$0x810 ss:$0x81] =	vst.msk $0xffff, v2;
	s17 =	smov.u32 s15;
	s15 =	sadd.s32 $0x4, s15  }
.Ltmp3:
0x35: {  	v2 =	vld [tilespmem:s16+$0xFFFFFFF0];
	[tilespmem:s13+$0x1020 ss:$0x81] =	vst.msk $0xffff, v0;
	(pc) =	sbr.rel @p1 .LBB1_3-.Ltmp3, $4  }
0x36: {  	v0 =	vld [tilespmem:s16+$0x0];
	[tilespmem:s13+$0x0 ss:$0x81] =	vst.msk $0xffff, v1  }
0x37: {  	s13 =	sshra.s32 s17, $0x2;
	v1 =	vld [tilespmem:s16+$0xFFFFFFE0]  }
0x38: {  	s13 =	sadd.s32 s13, s14  }
0x39: {  	s16 =	sadd.s32 $0x40, s16;
	[tilespmem:s13+$0x1830 ss:$0x81] =	vst.msk $0xffff, v3  }
0x3a: {  	s14 =	sshll.u32 s11, $0x3  }
0x3b: {  	s30 =	sand.u32 $0x7F, s11;
	s14 =	sand.u32 $0xFFFFFC00, s14  }
0x3c: {  	s11 =	sor.u32 s30, s14  }
0x3d: {  	s15 =	smulhi.u32 $0x218D6287, s11;
	_ =	sdelay $0x1  }
0x3e: {  	s14 =	smulhi.u32 $0x218D6287, s14;
	s15 =	sshrl.u32 s15, $0x11  }
0x3f: {  	s15 =	smul.u32 $0xF4280, s15  }
0x40: {  	s14 =	sshrl.u32 s14, $0x11  }
.Ltmp4:
0x41: {  	s14 =	sand.u32 $0x3F, s14;
	s11 =	ssub.s32 s11, s15;
	(pc) =	sbr.rel .LBB1_5-.Ltmp4, $4  }
0x42: {  	[tilespmem:s13+$0x810 ss:$0x81] =	vst.msk $0xffff, v2;
	s14 =	smul.u32 $0x1E850, s14;
	s15 =	sshrl.u32 s11, $0x3;
	s11 =	sand.u32 $0x7, s11  }
0x43: {  	[tilespmem:s13+$0x1020 ss:$0x81] =	vst.msk $0xffff, v0;
	s15 =	sadd.s32 s2, s15;
	s11 =	sshll.u32 s11, $0x12  }
0x44: {  	[tilespmem:s13+$0x0 ss:$0x81] =	vst.msk $0xffff, v1;
	s31 =	sadd.s32 s14, s15;
	s11 =	sor.u32 $0x400, s11  }
0x45: {  	[hbm4b:s31+s11] =	stream.strided.scatter [tilespmem:s12], [sflag:$0x2], $0x2000, s8, s11, $0x20;
	[tilespmem:$0x8080] =	vst v63  }
.LBB1_6:
0x46: {  	_ =	sfence.sel $0x180000  }
0x47: {  	s2 =	simm.s32 $0x1;
	[bflag:$0x0] =	sbarrier.arrive $0xFFFF  }
0x48: {  	s31 =	simm.s32 $0x2;
	[sflag:s2] =	ssyncpa.u1 $0x1  }
0x49: {  	[sflag:s31] =	ssyncpa.u1 $0x1  }
0x4a: {  	p0 =	sne.s32 s1, $0x0;
	_ =	strace $0x9000004A  }
0x4b: {  	s0 =	sadd.s32 @!p0 $0x100000, s0;
	[bflag:$0x2] =	sbarrier.arrive $0xFFFF  }
0x4c: {  	[sflag:s0] =	ssyncadd.tile.s32 @!p0 $0x1;
	_ =	shalt  }
.Lfunc_end1:
_tile_overlayer_lowered:
.L_overlay_start_2:
0x4d: {  	(tag) =	ssettag $0x2  }
0x4e: {  	s0 =	rddreg [dreg:$0x0];
	s2 =	stileid.u32  }
0x4f: {  	s1 =	rddreg [dreg:$0x1];
	p0 =	sne.s32 s2, $0x0  }
0x50: {  	s3 =	rddreg [dreg:$0x2];
	[bflag:$0x3] =	sbarrier.arrive $0xFFFF;
	s2 =	simm.s32 @!p0 $0x1C01  }
0x51: {  	[timem:s3], [sflag:s2] =	dma.local @!p0 [hbm:s0], s1  }
0x52: {  	s0 =	simm.s32 @!p0 $0x1  }
0x53: {  	_ =	swait.ge @!p0 [sflag:s0], s1  }
0x54: {  	s1 =	ssub.s32 @!p0 $0x0, s1;
	[sflag:s0] =	ssyncset.done @!p0 $0x0  }
0x55: {  	[sflag:s0] =	ssyncadd.s32 @!p0 s1  }
0x56: {  	[bflag:$0x3] =	sbarrier.arrive $0xFFFF  }
0x57: {  	_ =	shalt  }

</sc_bundles>
